<compile_context>
chip_gen: v7x
topology: tpu7x:2x2x1
jax: 0.10.2.dev20260603
libtpu: 0.0.44.dev20260713+nightly
codegen_flags: <defaults>
</compile_context>

<pallas_src>
import dataclasses
import functools

import jax
import jax.numpy as jnp
from jax import lax
from jax.experimental import pallas as pl
from jax.experimental.pallas import tpu as pltpu
from jax.experimental.pallas import tpu_sc as plsc

N_NODES = 10000
NPAD = 10240
E = 320000
EPAD = 327680
PAD_ROW = 10232

NC = 2
NS = 16
CHUNK = 512
SUB = 128
N_SUB = CHUNK // SUB
ROWS_PER_TILE = NPAD // NS
EDGES_PER_TILE = EPAD // (NC * NS)
N_CHUNKS = EDGES_PER_TILE // CHUNK
HIST_PER_TILE = EPAD // (NC * NS)
HIST_CHUNKS = HIST_PER_TILE // CHUNK

_mesh = plsc.VectorSubcoreMesh(core_axis_name="c", subcore_axis_name="s")

_sc_params = pltpu.CompilerParams()
if "needs_layout_passes" in pltpu.CompilerParams.__dataclass_fields__:
    _sc_params = dataclasses.replace(_sc_params, needs_layout_passes=False)


HROWS = EPAD // 128 // (NC * NS)
HCHR = 16
HCH = HROWS // HCHR


@jax.jit
def _degree_partials(e3):

    @functools.partial(
        pl.kernel,
        out_type=jax.ShapeDtypeStruct((NC * NS, NPAD), jnp.float32),
        mesh=_mesh,
        compiler_params=_sc_params,
        scratch_types=[
            pltpu.VMEM((NPAD,), jnp.float32),
            pltpu.VMEM((HCHR, 128), jnp.int32),
        ],
    )
    def hist_kernel(e_hbm, out_hbm, hist_v, idx_v):
        c = lax.axis_index("c")
        s = lax.axis_index("s")
        wid = s * NC + c
        dst_hbm = e_hbm.at[1]

        zeros16 = jnp.zeros((16,), jnp.float32)

        @pl.loop(0, NPAD, step=16)
        def _(i):
            hist_v[pl.ds(i, 16)] = zeros16

        ones16 = jnp.ones((16,), jnp.float32)
        row_base = wid * HROWS

        @pl.loop(0, HCH)
        def _(ch):
            pltpu.sync_copy(dst_hbm.at[pl.ds(row_base + ch * HCHR, HCHR)], idx_v)

            @pl.loop(0, HCHR)
            def _(r):
                @pl.loop(0, 128, step=16)
                def _(k):
                    idx = idx_v.at[r][pl.ds(k, 16)]
                    plsc.addupdate_scatter(hist_v, [idx], ones16)

        pltpu.sync_copy(hist_v, out_hbm.at[wid])

    return hist_kernel(e3)


SSUB = 64
NSLOT = 4
N_SUBS_PER_TILE = EDGES_PER_TILE // SSUB
IDX_ROWS = 8
IDX_CHUNK = 2 * IDX_ROWS
KSTEPS = 2 * IDX_CHUNK
OUTER = N_SUBS_PER_TILE // KSTEPS


@jax.jit
def _scatter_pass(y2, e3):

    @functools.partial(
        pl.kernel,
        out_type=jax.ShapeDtypeStruct((NC, NPAD, 128), jnp.float32),
        mesh=_mesh,
        compiler_params=_sc_params,
        scratch_types=[
            pltpu.VMEM_SHARED((NPAD, 128), jnp.float32),
            pltpu.VMEM((IDX_ROWS, 128), jnp.int32),
            pltpu.VMEM((IDX_ROWS, 128), jnp.int32),
            pltpu.VMEM((IDX_ROWS, 128), jnp.int32),
            pltpu.VMEM((IDX_ROWS, 128), jnp.int32),
            [pltpu.VMEM((SSUB, 128), jnp.float32) for _ in range(NSLOT)],
            [pltpu.VMEM((SSUB,), jnp.int32) for _ in range(NSLOT)],
            [pltpu.VMEM((SSUB,), jnp.int32) for _ in range(NSLOT)],
            [pltpu.SemaphoreType.DMA for _ in range(NSLOT)],
            [pltpu.SemaphoreType.DMA for _ in range(NSLOT)],
            pltpu.SemaphoreType.DMA,
            pltpu.SemaphoreType.DMA,
            pltpu.SemaphoreType.DMA,
            pltpu.SemaphoreType.DMA,
        ],
    )
    def scatter_kernel(y_hbm, e_hbm, z_hbm, z_sp,
                       sidx_a, sidx_b, didx_a, didx_b,
                       rows, stg_s, stg_d, gsem, ssem, ias, ibs, iad, ibd):
        c = lax.axis_index("c")
        s = lax.axis_index("s")

        r0 = s * ROWS_PER_TILE

        @pl.when(c == 0)
        def _():
            pltpu.sync_copy(
                y_hbm.at[pl.ds(r0, ROWS_PER_TILE)],
                z_sp.at[pl.ds(r0, ROWS_PER_TILE)],
            )

        @pl.when(c == 1)
        def _():
            zeros16 = jnp.zeros((16,), jnp.float32)

            @pl.loop(0, SSUB)
            def _(i):
                @pl.loop(0, 128, step=16)
                def _(j):
                    rows[0][i, pl.ds(j, 16)] = zeros16

            @pl.loop(0, ROWS_PER_TILE // SSUB)
            def _(b):
                pltpu.sync_copy(rows[0], z_sp.at[pl.ds(r0 + b * SSUB, SSUB)])

        plsc.subcore_barrier()

        src_hbm = e_hbm.at[0]
        dst_hbm = e_hbm.at[1]
        tbase = (c * NS + s) * (EDGES_PER_TILE // 128)
        sidx = (sidx_a, sidx_b)
        didx = (didx_a, didx_b)

        def idx_chunk_refs(m):
            return (src_hbm.at[pl.ds(tbase + m * IDX_ROWS, IDX_ROWS)],
                    dst_hbm.at[pl.ds(tbase + m * IDX_ROWS, IDX_ROWS)])

        def stage(idx_slots, stg, pos, r):
            half, rowk = pos // IDX_CHUNK, pos % IDX_CHUNK
            row, col = rowk // 2, (rowk % 2) * SSUB
            for j in range(0, SSUB, 16):
                stg[r][pl.ds(j, 16)] = idx_slots[half].at[row][pl.ds(col + j, 16)]

        def gather_desc(r):
            return pltpu.make_async_copy(y_hbm.at[stg_s[r]], rows[r], gsem[r])

        def issue_gather(pos, r):
            stage(sidx, stg_s, pos, r)
            pltpu.async_copy(y_hbm.at[stg_s[r]], rows[r], gsem[r])

        def issue_scatter(pos, r):
            stage(didx, stg_d, pos, r)
            pltpu.async_copy(rows[r], z_sp.at[stg_d[r]], ssem[r], add=True)

        def scatter_wait(r):
            pltpu.make_async_copy(rows[r], z_sp.at[stg_d[r]], ssem[r]).wait()

        s_ref, d_ref = idx_chunk_refs(0)
        pltpu.sync_copy(s_ref, sidx_a)
        pltpu.sync_copy(d_ref, didx_a)
        s_ref, d_ref = idx_chunk_refs(1)
        pltpu.async_copy(s_ref, sidx_b, ibs)
        pltpu.async_copy(d_ref, didx_b, ibd)

        @pl.loop(0, OUTER)
        def _(q):
            not_first = q > 0
            not_last = q < OUTER - 1
            for k in range(KSTEPS):
                r = k % NSLOT
                if k < NSLOT:
                    @pl.when(not_first)
                    def _():
                        scatter_wait(r)
                else:
                    scatter_wait(r)
                if k == 0:
                    @pl.when(not_first)
                    def _():
                        s_ref, d_ref = idx_chunk_refs(0)
                        pltpu.make_async_copy(s_ref, sidx_a, ias).wait()
                        pltpu.make_async_copy(d_ref, didx_a, iad).wait()
                if k == IDX_CHUNK:
                    s_ref, d_ref = idx_chunk_refs(0)
                    pltpu.make_async_copy(s_ref, sidx_b, ibs).wait()
                    pltpu.make_async_copy(d_ref, didx_b, ibd).wait()
                issue_gather(k, r)
                if k == 3:
                    @pl.when(not_first)
                    def _():
                        s_ref, d_ref = idx_chunk_refs(2 * q + 1)
                        pltpu.async_copy(s_ref, sidx_b, ibs)
                        pltpu.async_copy(d_ref, didx_b, ibd)
                if k == 19:
                    @pl.when(not_last)
                    def _():
                        s_ref, d_ref = idx_chunk_refs(2 * q + 2)
                        pltpu.async_copy(s_ref, sidx_a, ias)
                        pltpu.async_copy(d_ref, didx_a, iad)
                k2 = k - 2
                if k2 >= 0:
                    r2 = k2 % NSLOT
                    gather_desc(r2).wait()
                    issue_scatter(k2, r2)
                else:
                    @pl.when(not_first)
                    def _():
                        k2p = k2 + KSTEPS
                        r2 = k2p % NSLOT
                        gather_desc(r2).wait()
                        issue_scatter(k2p, r2)

        for k2 in (KSTEPS - 2, KSTEPS - 1):
            r2 = k2 % NSLOT
            gather_desc(r2).wait()
            issue_scatter(k2, r2)
        for r in range(NSLOT):
            scatter_wait(r)

        plsc.subcore_barrier()
        pltpu.sync_copy(
            z_sp.at[pl.ds(r0, ROWS_PER_TILE)],
            z_hbm.at[c].at[pl.ds(r0, ROWS_PER_TILE)],
        )

    return scatter_kernel(y2, e3)


_BLK = 1024
_NBLK = NPAD // _BLK
_FBLK = 1000


@jax.jit
def _tc_scale(partials, x_pad):

    def body(p_ref, x_ref, y_ref, d_ref):
        deg = jnp.sum(p_ref[...], axis=0) + 1.0
        dinv = lax.rsqrt(deg)
        y_ref[...] = x_ref[...] * dinv[:, None]
        d_ref[...] = jnp.broadcast_to(dinv[:, None], (_BLK, 8))

    return pl.pallas_call(
        body,
        grid=(_NBLK,),
        in_specs=[
            pl.BlockSpec((NC * NS, _BLK), lambda i: (0, i)),
            pl.BlockSpec((_BLK, 128), lambda i: (i, 0)),
        ],
        out_specs=[
            pl.BlockSpec((_BLK, 128), lambda i: (i, 0)),
            pl.BlockSpec((_BLK, 8), lambda i: (i, 0)),
        ],
        out_shape=[
            jax.ShapeDtypeStruct((NPAD, 128), jnp.float32),
            jax.ShapeDtypeStruct((NPAD, 8), jnp.float32),
        ],
    )(partials, x_pad)


@jax.jit
def _tc_mid(z, dinv8, W1, b1, W2):

    def body(z_ref, d_ref, w1_ref, b1_ref, w2_ref, y2_ref):
        dinv = d_ref[:, :1]
        p = (z_ref[0] + z_ref[1]) * dinv
        h1 = jnp.maximum(
            jnp.dot(p, w1_ref[...], preferred_element_type=jnp.float32)
            + b1_ref[...],
            0.0,
        )
        q = jnp.dot(h1, w2_ref[...], preferred_element_type=jnp.float32)
        y2_ref[...] = q * dinv

    return pl.pallas_call(
        body,
        grid=(_NBLK,),
        in_specs=[
            pl.BlockSpec((NC, _BLK, 128), lambda i: (0, i, 0)),
            pl.BlockSpec((_BLK, 8), lambda i: (i, 0)),
            pl.BlockSpec((128, 256), lambda i: (0, 0)),
            pl.BlockSpec((1, 256), lambda i: (0, 0)),
            pl.BlockSpec((256, 128), lambda i: (0, 0)),
        ],
        out_specs=pl.BlockSpec((_BLK, 128), lambda i: (i, 0)),
        out_shape=jax.ShapeDtypeStruct((NPAD, 128), jnp.float32),
    )(z, dinv8, W1, b1, W2)


@jax.jit
def _tc_final(z2, dinv8, b2):

    def body(z_ref, d_ref, b2_ref, o_ref):
        dinv = d_ref[:, :1]
        h = (z_ref[0] + z_ref[1]) * dinv
        o_ref[...] = jnp.maximum(h + b2_ref[...], 0.0)

    return pl.pallas_call(
        body,
        grid=(N_NODES // _FBLK,),
        in_specs=[
            pl.BlockSpec((NC, _FBLK, 128), lambda i: (0, i, 0)),
            pl.BlockSpec((_FBLK, 8), lambda i: (i, 0)),
            pl.BlockSpec((1, 128), lambda i: (0, 0)),
        ],
        out_specs=pl.BlockSpec((_FBLK, 128), lambda i: (i, 0)),
        out_shape=jax.ShapeDtypeStruct((N_NODES, 128), jnp.float32),
    )(z2, dinv8, b2)


@jax.jit
def kernel(features, edges, W1, b1, W2, b2):
    x_pad = jnp.zeros((NPAD, 128), jnp.float32).at[:N_NODES].set(features)
    pad1 = N_NODES + (jnp.arange(EPAD - E, dtype=jnp.int32) % (NPAD - N_NODES))
    e_pad = jnp.concatenate([edges, jnp.stack([pad1, pad1])], axis=1)
    e3 = e_pad.reshape(2, EPAD // 128, 128)
    partials = _degree_partials(e3)
    y, dinv8 = _tc_scale(partials, x_pad)
    z1 = _scatter_pass(y, e3)
    y2 = _tc_mid(z1, dinv8, W1, b1.reshape(1, 256), W2)
    z2 = _scatter_pass(y2, e3)
    return _tc_final(z2, dinv8, b2.reshape(1, 128))

# --- scband reference (transcript-rebuilt; emitter-appended) ---
"""Pipeline reference for scband-encoder-79809082294820 (READ-ONLY COPY).

The authoritative reference and input builder live on the scoring server;
editing this copy changes nothing except your own understanding.
"""

import jax, jax.numpy as jnp
import numpy as np

N_NODES = 10000
IN_CH = 128
OUT_CH = 128
N_EDGES = 320000


def glorot(key, shape):
    lim = jnp.sqrt(6.0 / (shape[0] + shape[1]))
    return jax.random.uniform(key, shape, minval=-lim, maxval=lim, dtype=jnp.float32)


def setup_inputs(seed: int = 0) -> dict:
    key = jax.random.key(seed)
    k1, k2, k3, k4 = jax.random.split(key, 4)
    features = jax.random.normal(k1, (N_NODES, IN_CH), dtype=jnp.float32)
    edges = jax.random.randint(k2, (2, N_EDGES), 0, N_NODES).astype(jnp.int32)
    # GCNConv layer 1: in_channels -> 2*out_channels
    W1 = glorot(k3, (IN_CH, 2 * OUT_CH))
    b1 = jnp.zeros((2 * OUT_CH,), dtype=jnp.float32)
    # GCNConv layer 2: 2*out_channels -> out_channels
    W2 = glorot(k4, (2 * OUT_CH, OUT_CH))
    b2 = jnp.zeros((OUT_CH,), dtype=jnp.float32)
    return {"features": features, "edges": edges, "W1": W1, "b1": b1, "W2": W2, "b2": b2}


def gcn_conv(x, edge_index, W, b):
    n = x.shape[0]
    x = x @ W
    src = edge_index[0]
    dst = edge_index[1]
    # add self loops
    loop = jnp.arange(n, dtype=src.dtype)
    src = jnp.concatenate([src, loop])
    dst = jnp.concatenate([dst, loop])
    # symmetric normalization with unit edge weights
    deg = jnp.zeros((n,), dtype=x.dtype).at[dst].add(1.0)
    deg_inv_sqrt = jnp.where(deg > 0, deg ** -0.5, 0.0)
    norm = deg_inv_sqrt[src] * deg_inv_sqrt[dst]
    # message passing: gather from src, scatter-add to dst
    msgs = norm[:, None] * x[src]
    out = jnp.zeros((n, W.shape[1]), dtype=x.dtype).at[dst].add(msgs)
    return out + b


def reference(features, edges, W1, b1, W2, b2):
    h = jax.nn.relu(gcn_conv(features, edges, W1, b1))
    h = jax.nn.relu(gcn_conv(h, edges, W2, b2))
    return h

if __name__ == "__main__":
    import jax
    _d = setup_inputs()
    print(jax.jit(kernel)(*tuple(_d.values())))

</pallas_src>

<mosaic_0001>
#map = affine_map<(d0, d1) -> (0, 0, 0)>
#map1 = affine_map<(d0, d1) -> (0, 0)>
module attributes {stable_mosaic.version = 14 : i64} {
  func.func @hist_kernel(%arg0: i32, %arg1: i32, %arg2: memref<2x2560x128xi32, #tpu.memory_space<hbm>>, %arg3: memref<32x10240xf32, #tpu.memory_space<hbm>>, %arg4: memref<10240xf32, #tpu.memory_space<vmem>>, %arg5: memref<16x128xi32, #tpu.memory_space<vmem>>) attributes {dimension_semantics = [#tpu.dimension_semantics<core_parallel>, #tpu.dimension_semantics<subcore_parallel>], iteration_bounds = array<i64: 2, 16>, scalar_prefetch = 0 : i64, scratch_operands = 2 : i64, tpu.core_type = #tpu.core_type<sc_vector_subcore>, window_params = [{transform_indices = #map}, {transform_indices = #map1}]} {
    %mul3A = arith.constant 2 : i32
    %mul3A_0 = arith.muli %arg1, %mul3A : i32
    %add3A = arith.addi %mul3A_0, %arg0 : i32
    %broadcast_in_dim3A = arith.constant 0.000000e+00 : f32
    %broadcast_in_dim3A_1 = vector.broadcast %broadcast_in_dim3A : f32 to vector<16xf32>
    %scan3A = arith.constant 0 : i32
    %scan3A_2 = arith.constant 640 : i32
    %scan3A_3 = arith.addi %scan3A, %scan3A_2 : i32
    %scan3A_4 = arith.constant 1 : i32
    scf.for %scan3A_16 = %scan3A to %scan3A_3 step %scan3A_4  : i32 {
      %mul3A_17 = arith.constant 16 : i32
      %mul3A_18 = arith.muli %scan3A_16, %mul3A_17 : i32
      %add3A_19 = arith.constant 0 : i32
      %add3A_20 = arith.addi %add3A_19, %mul3A_18 : i32
      %swap3A = arith.index_cast %add3A_20 : i32 to index
      %swap3A_21 = tpu.vector_load %arg4[%swap3A] {strides = array<i32>} : memref<10240xf32, #tpu.memory_space<vmem>>, vector<16xf32>,
      tpu.vector_store %arg4[%swap3A], %broadcast_in_dim3A_1 {strides = array<i32>} : memref<10240xf32, #tpu.memory_space<vmem>>, vector<16xf32>,
    }
    %scan3A_5 = arith.constant 640 : i32
    %broadcast_in_dim3A_6 = arith.constant 1.000000e+00 : f32
    %broadcast_in_dim3A_7 = vector.broadcast %broadcast_in_dim3A_6 : f32 to vector<16xf32>
    %mul3A_8 = arith.constant 80 : i32
    %mul3A_9 = arith.muli %add3A, %mul3A_8 : i32
    %scan3A_10 = arith.constant 1 : i32
    %scan3A_11 = arith.constant 0 : i32
    %scan3A_12 = arith.constant 5 : i32
    %scan3A_13 = arith.addi %scan3A_11, %scan3A_12 : i32
    %scan3A_14 = arith.constant 1 : i32
    scf.for %scan3A_16 = %scan3A_11 to %scan3A_13 step %scan3A_14  : i32 {
      %mul3A_17 = arith.constant 1 : i32
      %mul3A_18 = arith.muli %scan3A_16, %mul3A_17 : i32
      %add3A_19 = arith.constant 0 : i32
      %add3A_20 = arith.addi %add3A_19, %mul3A_18 : i32
      %mul3A_21 = arith.constant 16 : i32
      %mul3A_22 = arith.muli %add3A_20, %mul3A_21 : i32
      %add3A_23 = arith.addi %mul3A_9, %mul3A_22 : i32
      "tpu.region"() ({
        %run_scoped3A = tpu.sem_alloc : memref<!tpu.dma_semaphore, #tpu.memory_space<semaphore_mem>>
        %dma_start3A = arith.constant 0 : i32
        %dma_start3A_29 = arith.constant 0 : i32
        %dma_start3A_30 = tpu.memref_slice %arg2[%scan3A_10, %dma_start3A, %dma_start3A_29] : memref<2x2560x128xi32, #tpu.memory_space<hbm>> -> memref<1x2560x128xi32, #tpu.memory_space<hbm>>
        %dma_start3A_31 = tpu.memref_squeeze %dma_start3A_30 : memref<1x2560x128xi32, #tpu.memory_space<hbm>> -> memref<2560x128xi32, #tpu.memory_space<hbm>>
        %dma_start3A_32 = arith.constant 0 : i32
        %dma_start3A_33 = tpu.memref_slice %dma_start3A_31[%add3A_23, %dma_start3A_32] : memref<2560x128xi32, #tpu.memory_space<hbm>> -> memref<16x128xi32, #tpu.memory_space<hbm>>
        %dma_start3A_34 = arith.constant 0 : i32
        %dma_start3A_35 = arith.constant 0 : i32
        %dma_start3A_36 = tpu.memref_slice %arg2[%scan3A_10, %dma_start3A_34, %dma_start3A_35] : memref<2x2560x128xi32, #tpu.memory_space<hbm>> -> memref<1x2560x128xi32, #tpu.memory_space<hbm>>
        %dma_start3A_37 = tpu.memref_squeeze %dma_start3A_36 : memref<1x2560x128xi32, #tpu.memory_space<hbm>> -> memref<2560x128xi32, #tpu.memory_space<hbm>>
        %dma_start3A_38 = arith.constant 0 : i32
        %dma_start3A_39 = tpu.memref_slice %dma_start3A_37[%add3A_23, %dma_start3A_38] : memref<2560x128xi32, #tpu.memory_space<hbm>> -> memref<16x128xi32, #tpu.memory_space<hbm>>
        tpu.enqueue_dma source(%dma_start3A_39 : memref<16x128xi32, #tpu.memory_space<hbm>>) target(%arg5 : memref<16x128xi32, #tpu.memory_space<vmem>>) target_semaphore(%run_scoped3A : memref<!tpu.dma_semaphore, #tpu.memory_space<semaphore_mem>>)
        %dma_wait3A = arith.constant 0 : i32
        %dma_wait3A_40 = arith.constant 0 : i32
        %dma_wait3A_41 = tpu.memref_slice %arg2[%scan3A_10, %dma_wait3A, %dma_wait3A_40] : memref<2x2560x128xi32, #tpu.memory_space<hbm>> -> memref<1x2560x128xi32, #tpu.memory_space<hbm>>
        %dma_wait3A_42 = tpu.memref_squeeze %dma_wait3A_41 : memref<1x2560x128xi32, #tpu.memory_space<hbm>> -> memref<2560x128xi32, #tpu.memory_space<hbm>>
        %dma_wait3A_43 = arith.constant 0 : i32
        %dma_wait3A_44 = tpu.memref_slice %dma_wait3A_42[%add3A_23, %dma_wait3A_43] : memref<2560x128xi32, #tpu.memory_space<hbm>> -> memref<16x128xi32, #tpu.memory_space<hbm>>
        %dma_wait3A_45 = arith.constant 0 : i32
        %dma_wait3A_46 = arith.constant 0 : i32
        %dma_wait3A_47 = tpu.memref_slice %arg2[%scan3A_10, %dma_wait3A_45, %dma_wait3A_46] : memref<2x2560x128xi32, #tpu.memory_space<hbm>> -> memref<1x2560x128xi32, #tpu.memory_space<hbm>>
        %dma_wait3A_48 = tpu.memref_squeeze %dma_wait3A_47 : memref<1x2560x128xi32, #tpu.memory_space<hbm>> -> memref<2560x128xi32, #tpu.memory_space<hbm>>
        %dma_wait3A_49 = arith.constant 0 : i32
        %dma_wait3A_50 = tpu.memref_slice %dma_wait3A_48[%add3A_23, %dma_wait3A_49] : memref<2560x128xi32, #tpu.memory_space<hbm>> -> memref<16x128xi32, #tpu.memory_space<hbm>>
        tpu.wait_dma2 semaphore(%run_scoped3A : memref<!tpu.dma_semaphore, #tpu.memory_space<semaphore_mem>>) src(%dma_wait3A_50 : memref<16x128xi32, #tpu.memory_space<hbm>>) dst(%arg5 : memref<16x128xi32, #tpu.memory_space<vmem>>)
        tpu.yield
      }) : () -> ()
      %scan3A_24 = arith.constant 0 : i32
      %scan3A_25 = arith.constant 16 : i32
      %scan3A_26 = arith.addi %scan3A_24, %scan3A_25 : i32
      %scan3A_27 = arith.constant 1 : i32
      scf.for %scan3A_29 = %scan3A_24 to %scan3A_26 step %scan3A_27  : i32 {
        %mul3A_30 = arith.constant 1 : i32
        %mul3A_31 = arith.muli %scan3A_29, %mul3A_30 : i32
        %add3A_32 = arith.constant 0 : i32
        %add3A_33 = arith.addi %add3A_32, %mul3A_31 : i32
        %scan3A_34 = arith.constant 0 : i32
        %scan3A_35 = arith.constant 8 : i32
        %scan3A_36 = arith.addi %scan3A_34, %scan3A_35 : i32
        %scan3A_37 = arith.constant 1 : i32
        scf.for %scan3A_39 = %scan3A_34 to %scan3A_36 step %scan3A_37  : i32 {
          %mul3A_40 = arith.constant 16 : i32
          %mul3A_41 = arith.muli %scan3A_39, %mul3A_40 : i32
          %add3A_42 = arith.constant 0 : i32
          %add3A_43 = arith.addi %add3A_42, %mul3A_41 : i32
          %get3A = arith.constant 0 : i32
          %get3A_44 = tpu.memref_slice %arg5[%add3A_33, %get3A] : memref<16x128xi32, #tpu.memory_space<vmem>> -> memref<1x128xi32, #tpu.memory_space<vmem>>
          %get3A_45 = tpu.memref_squeeze %get3A_44 : memref<1x128xi32, #tpu.memory_space<vmem>> -> memref<128xi32, #tpu.memory_space<vmem>>
          %get3A_46 = arith.index_cast %add3A_43 : i32 to index
          %get3A_47 = tpu.vector_load %get3A_45[%get3A_46] {strides = array<i32>} : memref<128xi32, #tpu.memory_space<vmem>>, vector<16xi32>,
          tpu.vector_store_idx %arg4[%get3A_47], %broadcast_in_dim3A_7 {add = true} : memref<10240xf32, #tpu.memory_space<vmem>>[vector<16xi32>], vector<16xf32>,
        }
        %scan3A_38 = arith.constant 8 : i32
      }
      %scan3A_28 = arith.constant 16 : i32
    }
    %scan3A_15 = arith.constant 5 : i32
    "tpu.region"() ({
      %run_scoped3A = tpu.sem_alloc : memref<!tpu.dma_semaphore, #tpu.memory_space<semaphore_mem>>
      %dma_start3A = arith.constant 0 : i32
      %dma_start3A_16 = tpu.memref_slice %arg3[%add3A, %dma_start3A] : memref<32x10240xf32, #tpu.memory_space<hbm>> -> memref<1x10240xf32, #tpu.memory_space<hbm>>
      %dma_start3A_17 = tpu.memref_squeeze %dma_start3A_16 : memref<1x10240xf32, #tpu.memory_space<hbm>> -> memref<10240xf32, #tpu.memory_space<hbm>>
      %dma_start3A_18 = arith.constant 0 : i32
      %dma_start3A_19 = tpu.memref_slice %arg3[%add3A, %dma_start3A_18] : memref<32x10240xf32, #tpu.memory_space<hbm>> -> memref<1x10240xf32, #tpu.memory_space<hbm>>
      %dma_start3A_20 = tpu.memref_squeeze %dma_start3A_19 : memref<1x10240xf32, #tpu.memory_space<hbm>> -> memref<10240xf32, #tpu.memory_space<hbm>>
      tpu.enqueue_dma source(%arg4 : memref<10240xf32, #tpu.memory_space<vmem>>) target(%dma_start3A_20 : memref<10240xf32, #tpu.memory_space<hbm>>) target_semaphore(%run_scoped3A : memref<!tpu.dma_semaphore, #tpu.memory_space<semaphore_mem>>)
      %dma_wait3A = arith.constant 0 : i32
      %dma_wait3A_21 = tpu.memref_slice %arg3[%add3A, %dma_wait3A] : memref<32x10240xf32, #tpu.memory_space<hbm>> -> memref<1x10240xf32, #tpu.memory_space<hbm>>
      %dma_wait3A_22 = tpu.memref_squeeze %dma_wait3A_21 : memref<1x10240xf32, #tpu.memory_space<hbm>> -> memref<10240xf32, #tpu.memory_space<hbm>>
      %dma_wait3A_23 = arith.constant 0 : i32
      %dma_wait3A_24 = tpu.memref_slice %arg3[%add3A, %dma_wait3A_23] : memref<32x10240xf32, #tpu.memory_space<hbm>> -> memref<1x10240xf32, #tpu.memory_space<hbm>>
      %dma_wait3A_25 = tpu.memref_squeeze %dma_wait3A_24 : memref<1x10240xf32, #tpu.memory_space<hbm>> -> memref<10240xf32, #tpu.memory_space<hbm>>
      tpu.wait_dma2 semaphore(%run_scoped3A : memref<!tpu.dma_semaphore, #tpu.memory_space<semaphore_mem>>) src(%arg4 : memref<10240xf32, #tpu.memory_space<vmem>>) dst(%dma_wait3A_25 : memref<10240xf32, #tpu.memory_space<hbm>>)
      tpu.yield
    }) : () -> ()
    return
  }
}

</mosaic_0001>

<sc_bundles>
// kernel: _degree_partials.3.cloned.1.call-start
scs
__scs_entry_jumppad:
0x0: {  	(pc) =	sbr.rel $0x88, $3  }
0x1: {  	(tag) =	ssettag $0x0;
	lr =	simm.s32 $0x1  }
0x2: {  	[smem:$0x3FA0] =	sst lr;
	_ =	strace $0xD0000000  }
0x3: {  	_ = 	snop  }
0x4: {  	_ = 	snop  }
0x5: {  	_ = 	snop  }
0x6: {  	_ = 	snop  }
0x7: {  	_ = 	snop  }
__scs_overlays_trampoline_lowered:
0x8: {  	[smem:$0x3FAF] =	sst s0  }
0x9: {  	[smem:$0x3FB0] =	sst s1  }
0xa: {  	[smem:$0x3FB1] =	sst s2  }
0xb: {  	[smem:$0x3FB2] =	sst s3  }
0xc: {  	[smem:$0x3FB3] =	sst s4  }
0xd: {  	[smem:$0x3FB4] =	sst s5  }
0xe: {  	[smem:$0x3FB5] =	sst s6  }
0xf: {  	[smem:$0x3FB6] =	sst s7  }
0x10: {  	[smem:$0x3FB7] =	sst s8  }
0x11: {  	[smem:$0x3FB8] =	sst s9;
	s0 =	simm.s32 @!p0 $0x0  }
0x12: {  	s1 =	sld [smem:$0x3F9E];
	s0 =	simm.s32 @p0 $0x1  }
0x13: {  	[smem:$0x3FB9] =	sst s0;
	s0 =	simm.s32 @!p1 $0x0  }
0x14: {  	s2 =	sld [smem:$0x3F9D];
	s0 =	simm.s32 @p1 $0x1  }
0x15: {  	[smem:$0x3FBA] =	sst s0;
	s0 =	simm.s32 @!p2 $0x0  }
0x16: {  	s3 =	sld [smem:$0x3FDB];
	s0 =	simm.s32 @p2 $0x1  }
0x17: {  	s4 =	simm.s32 $0x1BF5;
	[smem:$0x3FBC] =	sst s0  }
0x18: {  	s0 =	sld [smem:$0x3F9F];
	_ =	swait.ge [sflag:s4], $0x0  }
0x19: {  	s7 =	sld [smem:$0x3FA0]  }
0x1a: {  	s8 =	sadd.s32 $0xFFFFE003, lr  }
0x1b: {  	s9 =	sadd.s32 $0xFFFFFEF7, lr;
	s5 =	simm.s32 $0xFFFFFFFF;
	p2 =	slt.u32 s8, $0xFFFFF086  }
0x1c: {  	p1 =	slt.u32 s9, $0xF7A;
	s5 =	simm.s32 @!p2 $0x0  }
0x1d: {  	s5 =	simm.s32 @p1 $0x1;
	p0 =	seq.s32 s7, s2  }
0x1e: {  	s7 =	smul.u32 @!p0 $0xF7A, s2;
	p2 =	seq.s32 @!p0 s5, $0x0  }
0x1f: {  	s9 =	smul.u32 $0xF7A, s1;
	s8 =	simm.s32 @!p0 $0x1BF5;
	p2 =	por !p2, p0  }
0x20: {  	[sflag:s8] =	ssyncset.s32 @!p0 $0xFFFFF086;
	s6 =	sadd.s32 @!p0 s3, s7;
	s7 =	simm.s32 @!p0 $0x108  }
0x21: {  	s3 =	sadd.s32 s3, s9;
	s6 =	sadd.s32 @!p0 $0x88, s6;
	s7 =	simm.s32 @p2 $0x1082  }
0x22: {  	[simem:s7], [sflag:s8] =	dma.local @!p0 [hbm:s6], $0xF7A  }
0x23: {  	s9 =	sor.u32 $0xD0000000, s2;
	s6 =	simm.s32 $0x108;
	_ =	swait.ge @!p0 [sflag:s8], $0x0  }
0x24: {  	s3 =	sadd.s32 $0x88, s3;
	s6 =	simm.s32 @!p1 $0x1082;
	[sflag:s4] =	ssyncset.s32 $0xFFFFF086  }
0x25: {  	[simem:s6], [sflag:s4] =	dma.local [hbm:s3], $0xF7A  }
0x26: {  	[smem:$0x3FA0] =	sst s1;
	(tag) =	ssettag s2;
	_ =	strace s9  }
0x27: {  	s1 =	sld [smem:$0x3FB0]  }
0x28: {  	s2 =	sld [smem:$0x3FB1]  }
0x29: {  	s4 =	sld [smem:$0x3FB3]  }
0x2a: {  	p0 =	seq.s32 s5, $0x0;
	s5 =	sld [smem:$0x3FB4]  }
0x2b: {  	s6 =	sld [smem:$0x3FB5]  }
0x2c: {  	s7 =	sld [smem:$0x3FB6]  }
0x2d: {  	s3 =	simm.s32 $0x108;
	s8 =	sld [smem:$0x3FB7]  }
0x2e: {  	s3 =	simm.s32 @!p0 $0x1082;
	s9 =	sld [smem:$0x3FB8]  }
0x2f: {  	lr =	sadd.s32 s0, s3;
	s0 =	sld [smem:$0x3FAF]  }
0x30: {  	s3 =	sld [smem:$0x3FB2]  }
0x31: {  	[smem:$0x3FBB] =	sst s10  }
0x32: {  	s10 =	sld [smem:$0x3FB9];
	_ =	sdelay $0x3  }
0x33: {  	p0 =	seq.s32 s10, $0x1;
	s10 =	sld [smem:$0x3FBB];
	_ =	sdelay $0x3  }
0x34: {  	[smem:$0x3FBB] =	sst s10  }
0x35: {  	s10 =	sld [smem:$0x3FBA];
	_ =	sdelay $0x3  }
0x36: {  	p1 =	seq.s32 s10, $0x1;
	s10 =	sld [smem:$0x3FBB];
	_ =	sdelay $0x3  }
0x37: {  	[smem:$0x3FBB] =	sst s10  }
0x38: {  	s10 =	sld [smem:$0x3FBC]  }
0x39: {  	_ = 	snop;
	(pc) =	sbr.ind lr, $3  }
0x3a: {  	_ = 	snop  }
0x3b: {  	_ = 	snop  }
0x3c: {  	p2 =	seq.s32 s10, $0x1;
	s10 =	sld [smem:$0x3FBB]  }
0x3d: {  	_ =	shalt  }
0x3e: {  	_ =	shalt  }
0x3f: {  	_ =	shalt  }
0x40: {  	_ =	shalt  }
0x41: {  	_ =	shalt  }
0x42: {  	_ =	shalt  }
0x43: {  	_ =	shalt  }
0x44: {  	_ =	shalt  }
0x45: {  	_ =	shalt  }
0x46: {  	_ =	shalt  }
0x47: {  	_ =	shalt  }
0x48: {  	_ =	shalt  }
0x49: {  	_ =	shalt  }
0x4a: {  	_ =	shalt  }
0x4b: {  	_ =	shalt  }
0x4c: {  	_ =	shalt  }
0x4d: {  	_ =	shalt  }
0x4e: {  	_ =	shalt  }
0x4f: {  	_ =	shalt  }
0x50: {  	_ =	shalt  }
0x51: {  	_ =	shalt  }
0x52: {  	_ =	shalt  }
0x53: {  	_ =	shalt  }
0x54: {  	_ =	shalt  }
0x55: {  	_ =	shalt  }
0x56: {  	_ =	shalt  }
0x57: {  	_ =	shalt  }
0x58: {  	_ =	shalt  }
0x59: {  	_ =	shalt  }
0x5a: {  	_ =	shalt  }
0x5b: {  	_ =	shalt  }
0x5c: {  	_ =	shalt  }
0x5d: {  	_ =	shalt  }
0x5e: {  	_ =	shalt  }
0x5f: {  	_ =	shalt  }
0x60: {  	_ =	shalt  }
0x61: {  	_ =	shalt  }
0x62: {  	_ =	shalt  }
0x63: {  	_ =	shalt  }
0x64: {  	_ =	shalt  }
0x65: {  	_ =	shalt  }
0x66: {  	_ =	shalt  }
0x67: {  	_ =	shalt  }
0x68: {  	_ =	shalt  }
0x69: {  	_ =	shalt  }
0x6a: {  	_ =	shalt  }
0x6b: {  	_ =	shalt  }
0x6c: {  	_ =	shalt  }
0x6d: {  	_ =	shalt  }
0x6e: {  	_ =	shalt  }
0x6f: {  	_ =	shalt  }
0x70: {  	_ =	shalt  }
0x71: {  	_ =	shalt  }
0x72: {  	_ =	shalt  }
0x73: {  	_ =	shalt  }
0x74: {  	_ =	shalt  }
0x75: {  	_ =	shalt  }
0x76: {  	_ =	shalt  }
0x77: {  	_ =	shalt  }
0x78: {  	_ =	shalt  }
0x79: {  	_ =	shalt  }
0x7a: {  	_ =	shalt  }
0x7b: {  	_ =	shalt  }
0x7c: {  	_ =	shalt  }
0x7d: {  	_ =	shalt  }
0x7e: {  	_ =	shalt  }
0x7f: {  	_ =	shalt  }
0x80: {  	_ =	shalt  }
0x81: {  	_ =	shalt  }
0x82: {  	_ =	shalt  }
0x83: {  	_ =	shalt  }
0x84: {  	_ =	shalt  }
0x85: {  	_ =	shalt  }
0x86: {  	_ =	shalt  }
0x87: {  	_ =	shalt  }
.Lfunc_end0:
.L_simem_size_0:
called_computation_lowered:
.L_overlay_start_0:
0x88: {  	s2 =	sld [smem:$0x3FD9]  }
0x89: {  	s3 =	sld [smem:$0x3FFE];
	_ =	sdelay $0x1  }
0x8a: {  	s1 =	srdreg.scid  }
0x8b: {  	s0 =	sand.u32 $0x1, s1  }
0x8c: {  	s18 =	sshll.u32 s0, $0xA;
	s2 =	sadd.s32 s3, s2  }
0x8d: {  	s2 =	sadd.s32 s2, s18  }
0x8e: {  	[smem:$0x3FC7] =	sst s2  }
0x8f: {  	_ = 	snop  }
0x90: {  	s2 =	sld [smem:$0x3FC9]  }
0x91: {  	s19 =	sld [smem:$0x3FD0];
	(tm) =	ssettm $0x1  }
0x92: {  	s4 =	sld [smem:$0x3FFB];
	_ =	sdelay $0x3  }
0x93: {  	_ =	strace s4  }
0x94: {  	s4 =	sld [smem:$0x3FFC];
	_ =	sdelay $0x3  }
0x95: {  	_ =	strace s4  }
0x96: {  	s4 =	sld [smem:$0x3FFD];
	_ =	sdelay $0x3  }
0x97: {  	_ =	strace s4  }
0x98: {  	_ =	strace $0x8FFFFFFF  }
0x99: {  	s20 =	sld [smem:$0x3FDB];
	_ =	sdelay $0x1  }
0x9a: {  	s5 =	simm.s32 $_scs_section_size  }
0x9b: {  	s6 =	simm.s32 $_size__tile_overlayer_lowered;
	s7 =	simm.s32 $_tile_overlayer_lowered  }
0x9c: {  	s23 =	simm.s32 $0x1BFF;
	s22 =	sshll.u32 s7, $0x1;
	s4 =	sadd.s32 s5, s20  }
0x9d: {  	s8 =	simm.s32 $0x0;
	s21 =	sshll.u32 s6, $0x1;
	s6 =	sadd.s32 s22, s4  }
0x9e: {  	[timem:s8], [sflag:s23] =	dma.local [hbm:s6], s21  }
0x9f: {  	_ =	swait.ge [sflag:s23], s21  }
0xa0: {  	s5 =	ssub.s32 $0x0, s21;
	[sflag:s23] =	ssyncset.done $0x0  }
0xa1: {  	[sflag:s23] =	ssyncadd.s32 s5;
	_ =	sdelay $0x1  }
0xa2: {  	s24 =	simm.s32 $0x1B8B  }
0xa3: {  	_ =	swait.ge [sflag:s24], $0x1  }
0xa4: {  	[sflag:s24] =	ssyncset.done $0x0  }
0xa5: {  	s25 =	simm.s32 $0x1B8E;
	[sflag:s24] =	ssyncadd.s32 $0xFFFFFFFF  }
0xa6: {  	s26 =	simm.s32 $execute0_lowered;
	[smem:$0x3FD2] =	sst s25  }
0xa7: {  	s5 =	sshll.u32 s26, $0x1;
	_ =	strace $0x80000046;
	[dreg:$0x1] =	wrdreg $0xFFFFFFFF  }
0xa8: {  	s28 =	simm.s32 $_size_execute0_lowered;
	s4 =	sadd.s32 s4, s5;
	[dreg:$0x0] =	wrdreg $0x0  }
0xa9: {  	s5 =	sshll.u32 s28, $0x1;
	[dreg:$0x2] =	wrdreg s4  }
0xaa: {  	[dreg:$0x3] =	wrdreg s5  }
0xab: {  	[dreg:$0x4] =	wrdreg $0xC0  }
0xac: {  	_ =	task [dreg:s8], $0x5FFFF  }
0xad: {  	[dreg:$0x1] =	wrdreg $0xFFFFFFFF  }
0xae: {  	[dreg:$0x0] =	wrdreg $0x60  }
0xaf: {  	[dreg:$0x2] =	wrdreg s2  }
0xb0: {  	[dreg:$0x3] =	wrdreg s19  }
0xb1: {  	[dreg:$0x4] =	wrdreg $0x9  }
0xb2: {  	_ =	task.clear_ibuf [dreg:s8], $0x5FFFF;
	_ =	strace $0x90000046  }
0xb3: {  	s29 =	simm.s32 $0x9;
	_ =	strace $0x80000048  }
0xb4: {  	_ =	swait.ge [sflag:s29], $0x1  }
0xb5: {  	[sflag:s29] =	ssyncadd.s32 $0xFFFFFFFF  }
0xb6: {  	_ =	strace $0x90000048  }
0xb7: {  	_ =	sfence  }
0xb8: {  	s30 =	sld [smem:$0x0];
	_ =	sdelay $0x2  }
0xb9: {  	s31 =	sshll.u32 s1, $0xD;
	s1 =	sshrl.u32 s1, $0x2  }
0xba: {  	s3 =	sand.u32 $0x4000, s31;
	s1 =	sadd.s32 s1, s30  }
0xbb: {  	s0 =	sor.u32 s3, s0;
	s1 =	sshll.u32 s1, $0x11  }
0xbc: {  	s0 =	sor.u32 s1, s0  }
0xbd: {  	s0 =	sadd.s32 $0x8F2B, s0  }
0xbe: {  	[sflag:s0] =	ssyncadd.remote.s32 $0x1  }
0xbf: {  	_ =	sfence.sel $0xFFFF  }
0xc0: {  	[dreg:$0x0] =	wrdreg $0xFFFFFFFF;
	(pc) =	sbr.abs _section_cstart, $3  }
0xc1: {  	[dreg:$0x1] =	wrdreg $0xFFFFFFFF  }
0xc2: {  	_ =	task.clear_ibuf [dreg:s8], $0x2FFFF;
	_ =	strace $0x9FFFFFFF  }
0xc3: {  	(tm) =	ssettm $0x7FFFFFFF  }
tec
execute0_lowered:
.L_overlay_start_1:
0x0: {  	(tag) =	ssettag $0x1  }
0x1: {  	s1 =	srdreg.scid;
	s3 =	rddreg [dreg:$0x0]  }
0x2: {  	s0 =	stileid.u32;
	s5 =	rddreg [dreg:$0x1];
	s10 =	simm.s32 $0x400  }
0x3: {  	s11 =	simm.s32 $0x0;
	s4 =	sand.u32 $0x1, s1;
	s30 =	sshll.u32 s0, $0x1  }
0x4: {  	s2 =	sshrl.u32 s0, $0x2;
	s1 =	rddreg [dreg:$0x2];
	s3 =	sadd.s32 $0xA000, s3  }
0x5: {  	s6 =	sor.u32 s4, s30;
	s7 =	smul.u32 $0x14000, s2;
	s2 =	simm.s32 $0x0  }
0x6: {  	s4 =	ssub.s32 $0x2, s4;
	s8 =	sshll.u32 s6, $0x7;
	[smem:$0x7FF] =	sst s2  }
0x7: {  	s9 =	sshrl.u32 s4, $0x1;
	s8 =	sand.u32 $0x380, s8;
	_ =	strace $0x80000047  }
0x8: {  	s31 =	ssub.s32 s4, s9;
	s4 =	smul.u32 $0x2800, s6;
	s7 =	sor.u32 s7, s8  }
0x9: {  	s9 =	simm.s32 $0x80;
	s6 =	smax.u32 s31, $0x1;
	s7 =	sshrl.u32 s7, $0x3  }
0xa: {  	v0 =	vimm.f32 $0.0e+00;
	v1 =	vimm.f32 $1.000000000e+00;
	s8 =	simm.s32 $0x1;
	s5 =	sadd.s32 s5, s7;
	s7 =	simm.s32 $0x2800  }
.LBB2_1:
0xb: {  	s12 =	simm.s32 $0x40;
	s13 =	simm.s32 $0x0  }
.LBB2_2:
0xc: {  	p0 =	sne.s32 s12, $0x9FC0;
	[tilespmem:s13+$0x0] =	vst v0;
	s13 =	smov.u32 s12;
	s12 =	sadd.s32 $0x40, s12  }
.Ltmp0:
0xd: {  	(pc) =	sbr.rel @p0 .LBB2_2-.Ltmp0, $2  }
0xe: {  	_ =	sdelay $0x2  }
0xf: {  	s13 =	sshra.s32 s13, $0x2  }
0x10: {  	[tilespmem:s13+$0x0] =	vst v0;
	s12 =	simm.s32 $0x0;
	s13 =	simm.s32 $0x0  }
.LBB2_4:
0x11: {  	s14 =	sshll.u32 s13, $0xB  }
0x12: {  	s14 =	sadd.s32 s4, s14  }
0x13: {  	s14 =	sshrl.u32 s14, $0x3  }
0x14: {  	s14 =	sadd.s32 s14, s3  }
0x15: {  	[tilespmem:s7], [sflag:$0x1] =	stream.linear.gather [hbm4b:s14+s12], $0x800, $0x38;
	[tilespmem:$0x3000] =	vst v63  }
0x16: {  	_ =	swait.ge [sflag:s8], $0x800  }
0x17: {  	[sflag:s8] =	ssyncset.done $0x0  }
0x18: {  	s14 =	simm.s32 $0x0;
	[sflag:s8] =	ssyncadd.s32 $0xFFFFF800  }
.LBB2_5:
0x19: {  	s15 =	sshra.s32 s14, $0x2  }
0x1a: {  	v2 =	vld [tilespmem:s15+$0x2800];
	_ =	sdelay $0x7  }
0x1b: {  	[tilespmem:v2+s2+$0x0] =	vst.idx.add.f32.msk $0xffff, v1  }
0x1c: {  	v2 =	vld [tilespmem:s15+$0x2810];
	_ =	sdelay $0x7  }
0x1d: {  	[tilespmem:v2+s2+$0x0] =	vst.idx.add.f32.msk $0xffff, v1  }
0x1e: {  	v2 =	vld [tilespmem:s15+$0x2820];
	_ =	sdelay $0x7  }
0x1f: {  	[tilespmem:v2+s2+$0x0] =	vst.idx.add.f32.msk $0xffff, v1  }
0x20: {  	v2 =	vld [tilespmem:s15+$0x2830];
	_ =	sdelay $0x7  }
0x21: {  	[tilespmem:v2+s2+$0x0] =	vst.idx.add.f32.msk $0xffff, v1  }
0x22: {  	v2 =	vld [tilespmem:s15+$0x2840];
	_ =	sdelay $0x7  }
0x23: {  	[tilespmem:v2+s2+$0x0] =	vst.idx.add.f32.msk $0xffff, v1  }
0x24: {  	v2 =	vld [tilespmem:s15+$0x2850];
	_ =	sdelay $0x7  }
0x25: {  	[tilespmem:v2+s2+$0x0] =	vst.idx.add.f32.msk $0xffff, v1  }
0x26: {  	v2 =	vld [tilespmem:s15+$0x2860];
	_ =	sdelay $0x7  }
0x27: {  	[tilespmem:v2+s2+$0x0] =	vst.idx.add.f32.msk $0xffff, v1  }
0x28: {  	v2 =	vld [tilespmem:s15+$0x2870];
	_ =	sdelay $0x2  }
0x29: {  	p0 =	sne.s32 s14, $0x1E00  }
.Ltmp1:
0x2a: {  	_ = 	snop;
	(pc) =	sbr.rel @p0 .LBB2_5-.Ltmp1, $2  }
0x2b: {  	_ =	sdelay $0x2  }
0x2c: {  	s14 =	sadd.s32 $0x200, s14;
	[tilespmem:v2+s2+$0x0] =	vst.idx.add.f32.msk $0xffff, v1  }
0x2d: {  	s13 =	sadd.s32 $0x1, s13  }
0x2e: {  	p0 =	sne.s32 s13, $0x5  }
.Ltmp2:
0x2f: {  	_ = 	snop;
	(pc) =	sbr.rel @p0 .LBB2_4-.Ltmp2, $1  }
0x30: {  	_ =	sdelay $0x3  }
0x31: {  	s11 =	sadd.s32 $0x1, s11  }
0x32: {  	p0 =	sne.s32 s11, s6  }
.Ltmp3:
0x33: {  	_ = 	snop;
	(pc) =	sbr.rel @p0 .LBB2_1-.Ltmp3, $4  }
0x34: {  	[hbm4b:s5+s9] =	stream.strided.scatter [tilespmem:s2], [sflag:$0x1], $0x2800, s10, s9, $0x38;
	[tilespmem:$0x3000] =	vst v63  }
0x35: {  	_ =	swait.ge [sflag:s8], $0x2800  }
0x36: {  	[sflag:s8] =	ssyncset.done $0x0  }
0x37: {  	[sflag:s8] =	ssyncadd.s32 $0xFFFFD800  }
0x38: {  	_ =	sfence.sel $0x180000  }
0x39: {  	[bflag:$0x0] =	sbarrier.arrive $0xFFFF  }
0x3a: {  	p0 =	sne.s32 s0, $0x0;
	_ =	strace $0x90000047  }
0x3b: {  	s0 =	sadd.s32 @!p0 $0x100000, s1;
	[bflag:$0x2] =	sbarrier.arrive $0xFFFF  }
0x3c: {  	[sflag:s0] =	ssyncadd.tile.s32 @!p0 $0x1;
	_ =	shalt  }
.Lfunc_end2:
_tile_overlayer_lowered:
.L_overlay_start_2:
0x3d: {  	(tag) =	ssettag $0x2  }
0x3e: {  	s0 =	rddreg [dreg:$0x0];
	s2 =	stileid.u32  }
0x3f: {  	s1 =	rddreg [dreg:$0x1];
	p0 =	sne.s32 s2, $0x0  }
0x40: {  	s3 =	rddreg [dreg:$0x2];
	[bflag:$0x3] =	sbarrier.arrive $0xFFFF;
	s2 =	simm.s32 @!p0 $0x1C01  }
0x41: {  	[timem:s3], [sflag:s2] =	dma.local @!p0 [hbm:s0], s1  }
0x42: {  	s0 =	simm.s32 @!p0 $0x1  }
0x43: {  	_ =	swait.ge @!p0 [sflag:s0], s1  }
0x44: {  	s1 =	ssub.s32 @!p0 $0x0, s1;
	[sflag:s0] =	ssyncset.done @!p0 $0x0  }
0x45: {  	[sflag:s0] =	ssyncadd.s32 @!p0 s1  }
0x46: {  	[bflag:$0x3] =	sbarrier.arrive $0xFFFF  }
0x47: {  	_ =	shalt  }

</sc_bundles>
